<compile_context>
chip_gen: v7x
topology: tpu7x:2x2x1
jax: 0.10.2.dev20260603
libtpu: 0.0.44.dev20260713+nightly
codegen_flags: <defaults>
</compile_context>

<pallas_src>
import functools

import jax
import jax.numpy as jnp
from jax import lax
from jax.experimental import pallas as pl
from jax.experimental.pallas import tpu as pltpu
from jax.experimental.pallas import tpu_sc as plsc

SH_V, YU_V = 24, 40
SH_D, YU_D = 32, 32
OUT_D = SH_D + YU_D
TAB_ROWS = SH_V * YU_V
NC, NS, L = 2, 16, 16
NW = NC * NS
GBLK = 128


def _prelude_body(sh_ref, yu_ref, s_ref, y_ref, tab_ref, comb_ref):
    sh = sh_ref[...]
    yu = yu_ref[...]
    shb = jnp.broadcast_to(sh[:, None, :], (SH_V, YU_V, SH_D)).reshape(
        TAB_ROWS, SH_D)
    yub = jnp.broadcast_to(yu[None, :, :], (SH_V, YU_V, YU_D)).reshape(
        TAB_ROWS, YU_D)
    tab_ref[...] = jnp.concatenate([shb, yub], axis=-1)
    comb = s_ref[...] * YU_V + y_ref[...]
    seq = comb.shape[1]
    comb_ref[...] = jnp.stack(
        [comb[:, :GBLK], comb[:, seq - GBLK:]], axis=1).reshape(-1, GBLK)


def _prelude(sh_table, yu_table, s_idx, y_idx):
    return pl.pallas_call(
        _prelude_body,
        out_shape=(
            jax.ShapeDtypeStruct((TAB_ROWS, OUT_D), jnp.float32),
            jax.ShapeDtypeStruct((2 * s_idx.shape[0], GBLK), jnp.int32),
        ),
    )(sh_table, yu_table, s_idx, y_idx)


def _make_sc_kernel(batch, seq):
    rows_per_w = batch // NW
    off2 = seq - GBLK
    mesh = plsc.VectorSubcoreMesh(
        core_axis_name="c", subcore_axis_name="s",
        num_cores=NC, num_subcores=NS)

    @functools.partial(
        pl.kernel,
        out_type=jax.ShapeDtypeStruct((batch, seq, OUT_D), jnp.float32),
        mesh=mesh,
        scratch_types=[
            pltpu.VMEM((2 * rows_per_w, GBLK), jnp.int32),
            [pltpu.VMEM((GBLK, OUT_D), jnp.float32) for _ in range(4)],
            [pltpu.SemaphoreType.DMA for _ in range(4)],
            [pltpu.SemaphoreType.DMA for _ in range(4)],
            pltpu.SemaphoreType.DMA,
            pltpu.VMEM_SHARED((TAB_ROWS, OUT_D), jnp.float32),
        ],
    )
    def sc_kernel(comb_hbm, table_hbm, out_hbm,
                  comb_v, bufs, gsems, wsems, lsem, table_sh):
        sid = lax.axis_index("s")
        wid = sid * NC + lax.axis_index("c")

        @pl.when(sid == 0)
        def _stage_table():
            pltpu.sync_copy(table_hbm, table_sh)

        pltpu.sync_copy(
            comb_hbm.at[pl.ds(wid * 2 * rows_per_w, 2 * rows_per_w)], comb_v)
        plsc.subcore_barrier()

        tail = seq - GBLK
        skip = GBLK - tail

        def gathers(b_local, slot):
            pltpu.async_copy(table_sh.at[comb_v.at[2 * b_local]],
                             bufs[2 * slot], gsems[2 * slot])
            pltpu.async_copy(table_sh.at[comb_v.at[2 * b_local + 1]],
                             bufs[2 * slot + 1], gsems[2 * slot + 1])

        def drain_gathers(b_local, slot):
            pltpu.make_async_copy(table_sh.at[comb_v.at[2 * b_local]],
                                  bufs[2 * slot], gsems[2 * slot]).wait()
            pltpu.make_async_copy(table_sh.at[comb_v.at[2 * b_local + 1]],
                                  bufs[2 * slot + 1],
                                  gsems[2 * slot + 1]).wait()

        def writes(row, slot):
            pltpu.async_copy(bufs[2 * slot],
                             out_hbm.at[row, pl.ds(0, GBLK)],
                             wsems[2 * slot])
            pltpu.async_copy(bufs[2 * slot + 1].at[pl.ds(skip, tail)],
                             out_hbm.at[row, pl.ds(GBLK, tail)],
                             wsems[2 * slot + 1])

        def drain_writes(row, slot):
            pltpu.make_async_copy(bufs[2 * slot],
                                  out_hbm.at[row, pl.ds(0, GBLK)],
                                  wsems[2 * slot]).wait()
            pltpu.make_async_copy(bufs[2 * slot + 1].at[pl.ds(skip, tail)],
                                  out_hbm.at[row, pl.ds(GBLK, tail)],
                                  wsems[2 * slot + 1]).wait()

        gathers(0, 0)

        def step(b, _):
            for r in range(2):
                @pl.when(b % 2 == r)
                def _do():
                    row = wid * rows_per_w + b
                    drain_gathers(b, r)
                    writes(row, r)

                    @pl.when(b + 1 < rows_per_w)
                    def _prefetch():
                        @pl.when(b >= 1)
                        def _reclaim():
                            drain_writes(wid * rows_per_w + b - 1, 1 - r)
                        gathers(b + 1, 1 - r)
            return 0

        lax.fori_loop(0, rows_per_w, step, 0)

        for b in (rows_per_w - 2, rows_per_w - 1):
            drain_writes(wid * rows_per_w + b, b % 2)

    return sc_kernel


def kernel(shengmu_indices, yunmu_indices, shengmu_table, yunmu_table):
    batch, seq = shengmu_indices.shape
    assert batch % NW == 0
    assert seq > GBLK // 2 and (seq - GBLK) % 8 == 0 and seq % 8 == 0

    table, comb = _prelude(shengmu_table, yunmu_table,
                           shengmu_indices, yunmu_indices)
    return _make_sc_kernel(batch, seq)(comb, table)

# --- scband reference (transcript-rebuilt; emitter-appended) ---
"""Pipeline reference for scband-shengmu-yunmu-pinyin-embedding-49091476193413 (READ-ONLY COPY).

The authoritative reference and input builder live on the scoring server;
editing this copy changes nothing except your own understanding.
"""

import jax, jax.numpy as jnp
import numpy as np

SHENGMU_VOCAB = 24
YUNMU_VOCAB = 40
SHENGMU_DIM = 32
YUNMU_DIM = 32
BATCH = 4096
SEQ = 200


def setup_inputs(seed: int = 0) -> dict:
    key = jax.random.key(seed)
    k1, k2, k3, k4 = jax.random.split(key, 4)
    shengmu_indices = jax.random.randint(k1, (BATCH, SEQ), 0, SHENGMU_VOCAB, dtype=jnp.int32)
    yunmu_indices = jax.random.randint(k2, (BATCH, SEQ), 0, YUNMU_VOCAB, dtype=jnp.int32)
    shengmu_table = jax.random.normal(k3, (SHENGMU_VOCAB, SHENGMU_DIM), dtype=jnp.float32)
    yunmu_table = jax.random.normal(k4, (YUNMU_VOCAB, YUNMU_DIM), dtype=jnp.float32)
    # padding_idx=0 in nn.Embedding: row 0 initialized to zeros
    shengmu_table = shengmu_table.at[0].set(0.0)
    yunmu_table = yunmu_table.at[0].set(0.0)
    return {
        "shengmu_indices": shengmu_indices,
        "yunmu_indices": yunmu_indices,
        "shengmu_table": shengmu_table,
        "yunmu_table": yunmu_table,
    }


def reference(shengmu_indices, yunmu_indices, shengmu_table, yunmu_table):
    shengmu_emb = jnp.take(shengmu_table, shengmu_indices, axis=0)
    yunmu_emb = jnp.take(yunmu_table, yunmu_indices, axis=0)
    return jnp.concatenate([shengmu_emb, yunmu_emb], axis=-1)

if __name__ == "__main__":
    import jax
    _d = setup_inputs()
    print(jax.jit(kernel)(*tuple(_d.values())))

</pallas_src>

<mosaic_0001>
#map = affine_map<(d0, d1) -> (0, 0)>
#map1 = affine_map<(d0, d1) -> (0, 0, 0)>
module attributes {stable_mosaic.version = 14 : i64} {
  func.func @sc_kernel(%arg0: i32, %arg1: i32, %arg2: memref<8192x128xi32, #tpu.memory_space<hbm>>, %arg3: memref<960x64xf32, #tpu.memory_space<hbm>>, %arg4: memref<4096x200x64xf32, #tpu.memory_space<hbm>>, %arg5: memref<256x128xi32, #tpu.memory_space<vmem>>, %arg6: memref<128x64xf32, #tpu.memory_space<vmem>>, %arg7: memref<128x64xf32, #tpu.memory_space<vmem>>, %arg8: memref<128x64xf32, #tpu.memory_space<vmem>>, %arg9: memref<128x64xf32, #tpu.memory_space<vmem>>, %arg10: memref<!tpu.dma_semaphore, #tpu.memory_space<semaphore_mem>>, %arg11: memref<!tpu.dma_semaphore, #tpu.memory_space<semaphore_mem>>, %arg12: memref<!tpu.dma_semaphore, #tpu.memory_space<semaphore_mem>>, %arg13: memref<!tpu.dma_semaphore, #tpu.memory_space<semaphore_mem>>, %arg14: memref<!tpu.dma_semaphore, #tpu.memory_space<semaphore_mem>>, %arg15: memref<!tpu.dma_semaphore, #tpu.memory_space<semaphore_mem>>, %arg16: memref<!tpu.dma_semaphore, #tpu.memory_space<semaphore_mem>>, %arg17: memref<!tpu.dma_semaphore, #tpu.memory_space<semaphore_mem>>, %arg18: memref<!tpu.dma_semaphore, #tpu.memory_space<semaphore_mem>>, %arg19: memref<960x64xf32, #tpu.memory_space<vmem_shared>>) attributes {dimension_semantics = [#tpu.dimension_semantics<core_parallel>, #tpu.dimension_semantics<subcore_parallel>], iteration_bounds = array<i64: 2, 16>, scalar_prefetch = 0 : i64, scratch_operands = 15 : i64, tpu.core_type = #tpu.core_type<sc_vector_subcore>, window_params = [{transform_indices = #map}, {transform_indices = #map}, {transform_indices = #map1}]} {
    %mul3A = arith.constant 2 : i32
    %mul3A_0 = arith.muli %arg1, %mul3A : i32
    %add3A = arith.addi %mul3A_0, %arg0 : i32
    %eq3A = arith.constant 0 : i32
    %eq3A_1 = arith.cmpi eq, %arg1, %eq3A : i32
    %convert_element_type3A = arith.extui %eq3A_1 : i1 to i32
    %cond3A = arith.constant 0 : i32
    %cond3A_2 = arith.cmpi ne, %convert_element_type3A, %cond3A : i32
    scf.if %cond3A_2 {
      "tpu.region"() ({
        %run_scoped3A = tpu.sem_alloc : memref<!tpu.dma_semaphore, #tpu.memory_space<semaphore_mem>>
        tpu.enqueue_dma source(%arg3 : memref<960x64xf32, #tpu.memory_space<hbm>>) target(%arg19 : memref<960x64xf32, #tpu.memory_space<vmem_shared>>) target_semaphore(%run_scoped3A : memref<!tpu.dma_semaphore, #tpu.memory_space<semaphore_mem>>)
        tpu.wait_dma2 semaphore(%run_scoped3A : memref<!tpu.dma_semaphore, #tpu.memory_space<semaphore_mem>>) src(%arg3 : memref<960x64xf32, #tpu.memory_space<hbm>>) dst(%arg19 : memref<960x64xf32, #tpu.memory_space<vmem_shared>>)
        tpu.yield
      }) : () -> ()
    } else {
    }
    %mul3A_3 = arith.constant 2 : i32
    %mul3A_4 = arith.muli %add3A, %mul3A_3 : i32
    %mul3A_5 = arith.constant 128 : i32
    %mul3A_6 = arith.muli %mul3A_4, %mul3A_5 : i32
    "tpu.region"() ({
      %run_scoped3A = tpu.sem_alloc : memref<!tpu.dma_semaphore, #tpu.memory_space<semaphore_mem>>
      %dma_start3A_77 = arith.constant 0 : i32
      %dma_start3A_78 = tpu.memref_slice %arg2[%mul3A_6, %dma_start3A_77] : memref<8192x128xi32, #tpu.memory_space<hbm>> -> memref<256x128xi32, #tpu.memory_space<hbm>>
      %dma_start3A_79 = arith.constant 0 : i32
      %dma_start3A_80 = tpu.memref_slice %arg2[%mul3A_6, %dma_start3A_79] : memref<8192x128xi32, #tpu.memory_space<hbm>> -> memref<256x128xi32, #tpu.memory_space<hbm>>
      tpu.enqueue_dma source(%dma_start3A_80 : memref<256x128xi32, #tpu.memory_space<hbm>>) target(%arg5 : memref<256x128xi32, #tpu.memory_space<vmem>>) target_semaphore(%run_scoped3A : memref<!tpu.dma_semaphore, #tpu.memory_space<semaphore_mem>>)
      %dma_wait3A_81 = arith.constant 0 : i32
      %dma_wait3A_82 = tpu.memref_slice %arg2[%mul3A_6, %dma_wait3A_81] : memref<8192x128xi32, #tpu.memory_space<hbm>> -> memref<256x128xi32, #tpu.memory_space<hbm>>
      %dma_wait3A_83 = arith.constant 0 : i32
      %dma_wait3A_84 = tpu.memref_slice %arg2[%mul3A_6, %dma_wait3A_83] : memref<8192x128xi32, #tpu.memory_space<hbm>> -> memref<256x128xi32, #tpu.memory_space<hbm>>
      tpu.wait_dma2 semaphore(%run_scoped3A : memref<!tpu.dma_semaphore, #tpu.memory_space<semaphore_mem>>) src(%dma_wait3A_84 : memref<256x128xi32, #tpu.memory_space<hbm>>) dst(%arg5 : memref<256x128xi32, #tpu.memory_space<vmem>>)
      tpu.yield
    }) : () -> ()
    %barrier3A = arith.constant 0 : index
    tpu.barrier barrier_id(%barrier3A)
    %dma_start3A = arith.constant 0 : i32
    %dma_start3A_7 = arith.constant 0 : i32
    %dma_start3A_8 = tpu.memref_slice %arg5[%dma_start3A, %dma_start3A_7] : memref<256x128xi32, #tpu.memory_space<vmem>> -> memref<1x128xi32, #tpu.memory_space<vmem>>
    %dma_start3A_9 = tpu.memref_squeeze %dma_start3A_8 : memref<1x128xi32, #tpu.memory_space<vmem>> -> memref<128xi32, #tpu.memory_space<vmem>>
    %dma_start3A_10 = arith.constant 0 : i32
    %dma_start3A_11 = arith.constant 0 : i32
    %dma_start3A_12 = tpu.memref_slice %arg19[%dma_start3A_10, %dma_start3A_11] : memref<960x64xf32, #tpu.memory_space<vmem_shared>> -> memref<960x64xf32, #tpu.memory_space<vmem_shared>>
    tpu.enqueue_indirect_dma source(%dma_start3A_12 : memref<960x64xf32, #tpu.memory_space<vmem_shared>>) target(%arg6 : memref<128x64xf32, #tpu.memory_space<vmem>>) offsets(%dma_start3A_9 : memref<128xi32, #tpu.memory_space<vmem>>) semaphore(%arg10 : memref<!tpu.dma_semaphore, #tpu.memory_space<semaphore_mem>>)
    %dma_start3A_13 = arith.constant 1 : i32
    %dma_start3A_14 = arith.constant 0 : i32
    %dma_start3A_15 = tpu.memref_slice %arg5[%dma_start3A_13, %dma_start3A_14] : memref<256x128xi32, #tpu.memory_space<vmem>> -> memref<1x128xi32, #tpu.memory_space<vmem>>
    %dma_start3A_16 = tpu.memref_squeeze %dma_start3A_15 : memref<1x128xi32, #tpu.memory_space<vmem>> -> memref<128xi32, #tpu.memory_space<vmem>>
    %dma_start3A_17 = arith.constant 0 : i32
    %dma_start3A_18 = arith.constant 0 : i32
    %dma_start3A_19 = tpu.memref_slice %arg19[%dma_start3A_17, %dma_start3A_18] : memref<960x64xf32, #tpu.memory_space<vmem_shared>> -> memref<960x64xf32, #tpu.memory_space<vmem_shared>>
    tpu.enqueue_indirect_dma source(%dma_start3A_19 : memref<960x64xf32, #tpu.memory_space<vmem_shared>>) target(%arg7 : memref<128x64xf32, #tpu.memory_space<vmem>>) offsets(%dma_start3A_16 : memref<128xi32, #tpu.memory_space<vmem>>) semaphore(%arg11 : memref<!tpu.dma_semaphore, #tpu.memory_space<semaphore_mem>>)
    %scan3A = arith.constant 0 : i32
    %scan3A_20 = arith.constant 0 : i32
    %scan3A_21 = arith.constant 128 : i32
    %scan3A_22 = arith.addi %scan3A_20, %scan3A_21 : i32
    %scan3A_23 = arith.constant 1 : i32
    %scan3A_24 = scf.for %scan3A_77 = %scan3A_20 to %scan3A_22 step %scan3A_23 iter_args(%scan3A_78 = %scan3A) -> (i32)  : i32 {
      %jit3A = arith.constant 2 : i32
      %eq3A_79 = arith.constant 0 : i32
      %eq3A_80 = arith.cmpi eq, %jit3A, %eq3A_79 : i32
      %jit3A_81 = arith.constant 1 : i32
      %select_n3A = arith.select %eq3A_80, %jit3A_81, %jit3A : i32
      %rem3A = arith.remsi %scan3A_77, %select_n3A : i32
      %ne3A = arith.constant 0 : i32
      %ne3A_82 = arith.cmpi ne, %rem3A, %ne3A : i32
      %lt3A = arith.constant 0 : i32
      %lt3A_83 = arith.cmpi slt, %rem3A, %lt3A : i32
      %lt3A_84 = arith.constant 0 : i32
      %lt3A_85 = arith.cmpi slt, %select_n3A, %lt3A_84 : i32
      %ne3A_86 = arith.xori %lt3A_83, %lt3A_85 : i1
      %and3A = arith.andi %ne3A_86, %ne3A_82 : i1
      %add3A_87 = arith.addi %rem3A, %select_n3A : i32
      %select_n3A_88 = arith.select %and3A, %add3A_87, %rem3A : i32
      %eq3A_89 = arith.constant 0 : i32
      %eq3A_90 = arith.cmpi eq, %select_n3A_88, %eq3A_89 : i32
      %convert_element_type3A_91 = arith.extui %eq3A_90 : i1 to i32
      %cond3A_92 = arith.constant 0 : i32
      %cond3A_93 = arith.cmpi ne, %convert_element_type3A_91, %cond3A_92 : i32
      scf.if %cond3A_93 {
        %mul3A_116 = arith.constant 128 : i32
        %mul3A_117 = arith.muli %add3A, %mul3A_116 : i32
        %add3A_118 = arith.addi %mul3A_117, %scan3A_77 : i32
        %mul3A_119 = arith.constant 2 : i32
        %mul3A_120 = arith.muli %mul3A_119, %scan3A_77 : i32
        %dma_wait3A_121 = arith.constant 0 : i32
        %dma_wait3A_122 = tpu.memref_slice %arg5[%mul3A_120, %dma_wait3A_121] : memref<256x128xi32, #tpu.memory_space<vmem>> -> memref<1x128xi32, #tpu.memory_space<vmem>>
        %dma_wait3A_123 = tpu.memref_squeeze %dma_wait3A_122 : memref<1x128xi32, #tpu.memory_space<vmem>> -> memref<128xi32, #tpu.memory_space<vmem>>
        %dma_wait3A_124 = arith.constant 0 : i32
        %dma_wait3A_125 = arith.constant 0 : i32
        %dma_wait3A_126 = tpu.memref_slice %arg19[%dma_wait3A_124, %dma_wait3A_125] : memref<960x64xf32, #tpu.memory_space<vmem_shared>> -> memref<960x64xf32, #tpu.memory_space<vmem_shared>>
        tpu.wait_indirect_dma semaphore(%arg10 : memref<!tpu.dma_semaphore, #tpu.memory_space<semaphore_mem>>) src(%dma_wait3A_126 : memref<960x64xf32, #tpu.memory_space<vmem_shared>>) dst(%arg6 : memref<128x64xf32, #tpu.memory_space<vmem>>)
        %mul3A_127 = arith.constant 2 : i32
        %mul3A_128 = arith.muli %mul3A_127, %scan3A_77 : i32
        %add3A_129 = arith.constant 1 : i32
        %add3A_130 = arith.addi %mul3A_128, %add3A_129 : i32
        %dma_wait3A_131 = arith.constant 0 : i32
        %dma_wait3A_132 = tpu.memref_slice %arg5[%add3A_130, %dma_wait3A_131] : memref<256x128xi32, #tpu.memory_space<vmem>> -> memref<1x128xi32, #tpu.memory_space<vmem>>
        %dma_wait3A_133 = tpu.memref_squeeze %dma_wait3A_132 : memref<1x128xi32, #tpu.memory_space<vmem>> -> memref<128xi32, #tpu.memory_space<vmem>>
        %dma_wait3A_134 = arith.constant 0 : i32
        %dma_wait3A_135 = arith.constant 0 : i32
        %dma_wait3A_136 = tpu.memref_slice %arg19[%dma_wait3A_134, %dma_wait3A_135] : memref<960x64xf32, #tpu.memory_space<vmem_shared>> -> memref<960x64xf32, #tpu.memory_space<vmem_shared>>
        tpu.wait_indirect_dma semaphore(%arg11 : memref<!tpu.dma_semaphore, #tpu.memory_space<semaphore_mem>>) src(%dma_wait3A_136 : memref<960x64xf32, #tpu.memory_space<vmem_shared>>) dst(%arg7 : memref<128x64xf32, #tpu.memory_space<vmem>>)
        %dma_start3A_137 = arith.constant 0 : i32
        %dma_start3A_138 = arith.constant 0 : i32
        %dma_start3A_139 = tpu.memref_slice %arg4[%add3A_118, %dma_start3A_137, %dma_start3A_138] : memref<4096x200x64xf32, #tpu.memory_space<hbm>> -> memref<1x128x64xf32, #tpu.memory_space<hbm>>
        %dma_start3A_140 = tpu.memref_squeeze %dma_start3A_139 : memref<1x128x64xf32, #tpu.memory_space<hbm>> -> memref<128x64xf32, #tpu.memory_space<hbm>>
        %dma_start3A_141 = arith.constant 0 : i32
        %dma_start3A_142 = arith.constant 0 : i32
        %dma_start3A_143 = tpu.memref_slice %arg4[%add3A_118, %dma_start3A_141, %dma_start3A_142] : memref<4096x200x64xf32, #tpu.memory_space<hbm>> -> memref<1x128x64xf32, #tpu.memory_space<hbm>>
        %dma_start3A_144 = tpu.memref_squeeze %dma_start3A_143 : memref<1x128x64xf32, #tpu.memory_space<hbm>> -> memref<128x64xf32, #tpu.memory_space<hbm>>
        tpu.enqueue_dma source(%arg6 : memref<128x64xf32, #tpu.memory_space<vmem>>) target(%dma_start3A_144 : memref<128x64xf32, #tpu.memory_space<hbm>>) target_semaphore(%arg14 : memref<!tpu.dma_semaphore, #tpu.memory_space<semaphore_mem>>)
        %dma_start3A_145 = arith.constant 56 : i32
        %dma_start3A_146 = arith.constant 0 : i32
        %dma_start3A_147 = tpu.memref_slice %arg7[%dma_start3A_145, %dma_start3A_146] : memref<128x64xf32, #tpu.memory_space<vmem>> -> memref<72x64xf32, #tpu.memory_space<vmem>>
        %dma_start3A_148 = arith.constant 128 : i32
        %dma_start3A_149 = arith.constant 0 : i32
        %dma_start3A_150 = tpu.memref_slice %arg4[%add3A_118, %dma_start3A_148, %dma_start3A_149] : memref<4096x200x64xf32, #tpu.memory_space<hbm>> -> memref<1x72x64xf32, #tpu.memory_space<hbm>>
        %dma_start3A_151 = tpu.memref_squeeze %dma_start3A_150 : memref<1x72x64xf32, #tpu.memory_space<hbm>> -> memref<72x64xf32, #tpu.memory_space<hbm>>
        %dma_start3A_152 = arith.constant 128 : i32
        %dma_start3A_153 = arith.constant 0 : i32
        %dma_start3A_154 = tpu.memref_slice %arg4[%add3A_118, %dma_start3A_152, %dma_start3A_153] : memref<4096x200x64xf32, #tpu.memory_space<hbm>> -> memref<1x72x64xf32, #tpu.memory_space<hbm>>
        %dma_start3A_155 = tpu.memref_squeeze %dma_start3A_154 : memref<1x72x64xf32, #tpu.memory_space<hbm>> -> memref<72x64xf32, #tpu.memory_space<hbm>>
        %dma_start3A_156 = arith.constant 56 : i32
        %dma_start3A_157 = arith.constant 0 : i32
        %dma_start3A_158 = tpu.memref_slice %arg7[%dma_start3A_156, %dma_start3A_157] : memref<128x64xf32, #tpu.memory_space<vmem>> -> memref<72x64xf32, #tpu.memory_space<vmem>>
        tpu.enqueue_dma source(%dma_start3A_158 : memref<72x64xf32, #tpu.memory_space<vmem>>) target(%dma_start3A_155 : memref<72x64xf32, #tpu.memory_space<hbm>>) target_semaphore(%arg15 : memref<!tpu.dma_semaphore, #tpu.memory_space<semaphore_mem>>)
        %add3A_159 = arith.constant 1 : i32
        %add3A_160 = arith.addi %scan3A_77, %add3A_159 : i32
        %lt3A_161 = arith.constant 128 : i32
        %lt3A_162 = arith.cmpi slt, %add3A_160, %lt3A_161 : i32
        %convert_element_type3A_163 = arith.extui %lt3A_162 : i1 to i32
        %cond3A_164 = arith.constant 0 : i32
        %cond3A_165 = arith.cmpi ne, %convert_element_type3A_163, %cond3A_164 : i32
        scf.if %cond3A_165 {
          %ge3A = arith.constant 1 : i32
          %ge3A_166 = arith.cmpi sge, %scan3A_77, %ge3A : i32
          %convert_element_type3A_167 = arith.extui %ge3A_166 : i1 to i32
          %cond3A_168 = arith.constant 0 : i32
          %cond3A_169 = arith.cmpi ne, %convert_element_type3A_167, %cond3A_168 : i32
          scf.if %cond3A_169 {
            %mul3A_190 = arith.constant 128 : i32
            %mul3A_191 = arith.muli %add3A, %mul3A_190 : i32
            %add3A_192 = arith.addi %mul3A_191, %scan3A_77 : i32
            %sub3A = arith.constant 1 : i32
            %sub3A_193 = arith.subi %add3A_192, %sub3A : i32
            %dma_wait3A_194 = arith.constant 0 : i32
            %dma_wait3A_195 = arith.constant 0 : i32
            %dma_wait3A_196 = tpu.memref_slice %arg4[%sub3A_193, %dma_wait3A_194, %dma_wait3A_195] : memref<4096x200x64xf32, #tpu.memory_space<hbm>> -> memref<1x128x64xf32, #tpu.memory_space<hbm>>
            %dma_wait3A_197 = tpu.memref_squeeze %dma_wait3A_196 : memref<1x128x64xf32, #tpu.memory_space<hbm>> -> memref<128x64xf32, #tpu.memory_space<hbm>>
            %dma_wait3A_198 = arith.constant 0 : i32
            %dma_wait3A_199 = arith.constant 0 : i32
            %dma_wait3A_200 = tpu.memref_slice %arg4[%sub3A_193, %dma_wait3A_198, %dma_wait3A_199] : memref<4096x200x64xf32, #tpu.memory_space<hbm>> -> memref<1x128x64xf32, #tpu.memory_space<hbm>>
            %dma_wait3A_201 = tpu.memref_squeeze %dma_wait3A_200 : memref<1x128x64xf32, #tpu.memory_space<hbm>> -> memref<128x64xf32, #tpu.memory_space<hbm>>
            tpu.wait_dma2 semaphore(%arg16 : memref<!tpu.dma_semaphore, #tpu.memory_space<semaphore_mem>>) src(%arg8 : memref<128x64xf32, #tpu.memory_space<vmem>>) dst(%dma_wait3A_201 : memref<128x64xf32, #tpu.memory_space<hbm>>)
            %dma_wait3A_202 = arith.constant 56 : i32
            %dma_wait3A_203 = arith.constant 0 : i32
            %dma_wait3A_204 = tpu.memref_slice %arg9[%dma_wait3A_202, %dma_wait3A_203] : memref<128x64xf32, #tpu.memory_space<vmem>> -> memref<72x64xf32, #tpu.memory_space<vmem>>
            %dma_wait3A_205 = arith.constant 128 : i32
            %dma_wait3A_206 = arith.constant 0 : i32
            %dma_wait3A_207 = tpu.memref_slice %arg4[%sub3A_193, %dma_wait3A_205, %dma_wait3A_206] : memref<4096x200x64xf32, #tpu.memory_space<hbm>> -> memref<1x72x64xf32, #tpu.memory_space<hbm>>
            %dma_wait3A_208 = tpu.memref_squeeze %dma_wait3A_207 : memref<1x72x64xf32, #tpu.memory_space<hbm>> -> memref<72x64xf32, #tpu.memory_space<hbm>>
            %dma_wait3A_209 = arith.constant 128 : i32
            %dma_wait3A_210 = arith.constant 0 : i32
            %dma_wait3A_211 = tpu.memref_slice %arg4[%sub3A_193, %dma_wait3A_209, %dma_wait3A_210] : memref<4096x200x64xf32, #tpu.memory_space<hbm>> -> memref<1x72x64xf32, #tpu.memory_space<hbm>>
            %dma_wait3A_212 = tpu.memref_squeeze %dma_wait3A_211 : memref<1x72x64xf32, #tpu.memory_space<hbm>> -> memref<72x64xf32, #tpu.memory_space<hbm>>
            %dma_wait3A_213 = arith.constant 56 : i32
            %dma_wait3A_214 = arith.constant 0 : i32
            %dma_wait3A_215 = tpu.memref_slice %arg9[%dma_wait3A_213, %dma_wait3A_214] : memref<128x64xf32, #tpu.memory_space<vmem>> -> memref<72x64xf32, #tpu.memory_space<vmem>>
            tpu.wait_dma2 semaphore(%arg17 : memref<!tpu.dma_semaphore, #tpu.memory_space<semaphore_mem>>) src(%dma_wait3A_215 : memref<72x64xf32, #tpu.memory_space<vmem>>) dst(%dma_wait3A_212 : memref<72x64xf32, #tpu.memory_space<hbm>>)
          } else {
          }
          %add3A_170 = arith.constant 1 : i32
          %add3A_171 = arith.addi %scan3A_77, %add3A_170 : i32
          %mul3A_172 = arith.constant 2 : i32
          %mul3A_173 = arith.muli %mul3A_172, %add3A_171 : i32
          %dma_start3A_174 = arith.constant 0 : i32
          %dma_start3A_175 = tpu.memref_slice %arg5[%mul3A_173, %dma_start3A_174] : memref<256x128xi32, #tpu.memory_space<vmem>> -> memref<1x128xi32, #tpu.memory_space<vmem>>
          %dma_start3A_176 = tpu.memref_squeeze %dma_start3A_175 : memref<1x128xi32, #tpu.memory_space<vmem>> -> memref<128xi32, #tpu.memory_space<vmem>>
          %dma_start3A_177 = arith.constant 0 : i32
          %dma_start3A_178 = arith.constant 0 : i32
          %dma_start3A_179 = tpu.memref_slice %arg19[%dma_start3A_177, %dma_start3A_178] : memref<960x64xf32, #tpu.memory_space<vmem_shared>> -> memref<960x64xf32, #tpu.memory_space<vmem_shared>>
          tpu.enqueue_indirect_dma source(%dma_start3A_179 : memref<960x64xf32, #tpu.memory_space<vmem_shared>>) target(%arg8 : memref<128x64xf32, #tpu.memory_space<vmem>>) offsets(%dma_start3A_176 : memref<128xi32, #tpu.memory_space<vmem>>) semaphore(%arg12 : memref<!tpu.dma_semaphore, #tpu.memory_space<semaphore_mem>>)
          %mul3A_180 = arith.constant 2 : i32
          %mul3A_181 = arith.muli %mul3A_180, %add3A_171 : i32
          %add3A_182 = arith.constant 1 : i32
          %add3A_183 = arith.addi %mul3A_181, %add3A_182 : i32
          %dma_start3A_184 = arith.constant 0 : i32
          %dma_start3A_185 = tpu.memref_slice %arg5[%add3A_183, %dma_start3A_184] : memref<256x128xi32, #tpu.memory_space<vmem>> -> memref<1x128xi32, #tpu.memory_space<vmem>>
          %dma_start3A_186 = tpu.memref_squeeze %dma_start3A_185 : memref<1x128xi32, #tpu.memory_space<vmem>> -> memref<128xi32, #tpu.memory_space<vmem>>
          %dma_start3A_187 = arith.constant 0 : i32
          %dma_start3A_188 = arith.constant 0 : i32
          %dma_start3A_189 = tpu.memref_slice %arg19[%dma_start3A_187, %dma_start3A_188] : memref<960x64xf32, #tpu.memory_space<vmem_shared>> -> memref<960x64xf32, #tpu.memory_space<vmem_shared>>
          tpu.enqueue_indirect_dma source(%dma_start3A_189 : memref<960x64xf32, #tpu.memory_space<vmem_shared>>) target(%arg9 : memref<128x64xf32, #tpu.memory_space<vmem>>) offsets(%dma_start3A_186 : memref<128xi32, #tpu.memory_space<vmem>>) semaphore(%arg13 : memref<!tpu.dma_semaphore, #tpu.memory_space<semaphore_mem>>)
        } else {
        }
      } else {
      }
      %jit3A_94 = arith.constant 2 : i32
      %eq3A_95 = arith.constant 0 : i32
      %eq3A_96 = arith.cmpi eq, %jit3A_94, %eq3A_95 : i32
      %jit3A_97 = arith.constant 1 : i32
      %select_n3A_98 = arith.select %eq3A_96, %jit3A_97, %jit3A_94 : i32
      %rem3A_99 = arith.remsi %scan3A_77, %select_n3A_98 : i32
      %ne3A_100 = arith.constant 0 : i32
      %ne3A_101 = arith.cmpi ne, %rem3A_99, %ne3A_100 : i32
      %lt3A_102 = arith.constant 0 : i32
      %lt3A_103 = arith.cmpi slt, %rem3A_99, %lt3A_102 : i32
      %lt3A_104 = arith.constant 0 : i32
      %lt3A_105 = arith.cmpi slt, %select_n3A_98, %lt3A_104 : i32
      %ne3A_106 = arith.xori %lt3A_103, %lt3A_105 : i1
      %and3A_107 = arith.andi %ne3A_106, %ne3A_101 : i1
      %add3A_108 = arith.addi %rem3A_99, %select_n3A_98 : i32
      %select_n3A_109 = arith.select %and3A_107, %add3A_108, %rem3A_99 : i32
      %eq3A_110 = arith.constant 1 : i32
      %eq3A_111 = arith.cmpi eq, %select_n3A_109, %eq3A_110 : i32
      %convert_element_type3A_112 = arith.extui %eq3A_111 : i1 to i32
      %cond3A_113 = arith.constant 0 : i32
      %cond3A_114 = arith.cmpi ne, %convert_element_type3A_112, %cond3A_113 : i32
      scf.if %cond3A_114 {
        %mul3A_116 = arith.constant 128 : i32
        %mul3A_117 = arith.muli %add3A, %mul3A_116 : i32
        %add3A_118 = arith.addi %mul3A_117, %scan3A_77 : i32
        %mul3A_119 = arith.constant 2 : i32
        %mul3A_120 = arith.muli %mul3A_119, %scan3A_77 : i32
        %dma_wait3A_121 = arith.constant 0 : i32
        %dma_wait3A_122 = tpu.memref_slice %arg5[%mul3A_120, %dma_wait3A_121] : memref<256x128xi32, #tpu.memory_space<vmem>> -> memref<1x128xi32, #tpu.memory_space<vmem>>
        %dma_wait3A_123 = tpu.memref_squeeze %dma_wait3A_122 : memref<1x128xi32, #tpu.memory_space<vmem>> -> memref<128xi32, #tpu.memory_space<vmem>>
        %dma_wait3A_124 = arith.constant 0 : i32
        %dma_wait3A_125 = arith.constant 0 : i32
        %dma_wait3A_126 = tpu.memref_slice %arg19[%dma_wait3A_124, %dma_wait3A_125] : memref<960x64xf32, #tpu.memory_space<vmem_shared>> -> memref<960x64xf32, #tpu.memory_space<vmem_shared>>
        tpu.wait_indirect_dma semaphore(%arg12 : memref<!tpu.dma_semaphore, #tpu.memory_space<semaphore_mem>>) src(%dma_wait3A_126 : memref<960x64xf32, #tpu.memory_space<vmem_shared>>) dst(%arg8 : memref<128x64xf32, #tpu.memory_space<vmem>>)
        %mul3A_127 = arith.constant 2 : i32
        %mul3A_128 = arith.muli %mul3A_127, %scan3A_77 : i32
        %add3A_129 = arith.constant 1 : i32
        %add3A_130 = arith.addi %mul3A_128, %add3A_129 : i32
        %dma_wait3A_131 = arith.constant 0 : i32
        %dma_wait3A_132 = tpu.memref_slice %arg5[%add3A_130, %dma_wait3A_131] : memref<256x128xi32, #tpu.memory_space<vmem>> -> memref<1x128xi32, #tpu.memory_space<vmem>>
        %dma_wait3A_133 = tpu.memref_squeeze %dma_wait3A_132 : memref<1x128xi32, #tpu.memory_space<vmem>> -> memref<128xi32, #tpu.memory_space<vmem>>
        %dma_wait3A_134 = arith.constant 0 : i32
        %dma_wait3A_135 = arith.constant 0 : i32
        %dma_wait3A_136 = tpu.memref_slice %arg19[%dma_wait3A_134, %dma_wait3A_135] : memref<960x64xf32, #tpu.memory_space<vmem_shared>> -> memref<960x64xf32, #tpu.memory_space<vmem_shared>>
        tpu.wait_indirect_dma semaphore(%arg13 : memref<!tpu.dma_semaphore, #tpu.memory_space<semaphore_mem>>) src(%dma_wait3A_136 : memref<960x64xf32, #tpu.memory_space<vmem_shared>>) dst(%arg9 : memref<128x64xf32, #tpu.memory_space<vmem>>)
        %dma_start3A_137 = arith.constant 0 : i32
        %dma_start3A_138 = arith.constant 0 : i32
        %dma_start3A_139 = tpu.memref_slice %arg4[%add3A_118, %dma_start3A_137, %dma_start3A_138] : memref<4096x200x64xf32, #tpu.memory_space<hbm>> -> memref<1x128x64xf32, #tpu.memory_space<hbm>>
        %dma_start3A_140 = tpu.memref_squeeze %dma_start3A_139 : memref<1x128x64xf32, #tpu.memory_space<hbm>> -> memref<128x64xf32, #tpu.memory_space<hbm>>
        %dma_start3A_141 = arith.constant 0 : i32
        %dma_start3A_142 = arith.constant 0 : i32
        %dma_start3A_143 = tpu.memref_slice %arg4[%add3A_118, %dma_start3A_141, %dma_start3A_142] : memref<4096x200x64xf32, #tpu.memory_space<hbm>> -> memref<1x128x64xf32, #tpu.memory_space<hbm>>
        %dma_start3A_144 = tpu.memref_squeeze %dma_start3A_143 : memref<1x128x64xf32, #tpu.memory_space<hbm>> -> memref<128x64xf32, #tpu.memory_space<hbm>>
        tpu.enqueue_dma source(%arg8 : memref<128x64xf32, #tpu.memory_space<vmem>>) target(%dma_start3A_144 : memref<128x64xf32, #tpu.memory_space<hbm>>) target_semaphore(%arg16 : memref<!tpu.dma_semaphore, #tpu.memory_space<semaphore_mem>>)
        %dma_start3A_145 = arith.constant 56 : i32
        %dma_start3A_146 = arith.constant 0 : i32
        %dma_start3A_147 = tpu.memref_slice %arg9[%dma_start3A_145, %dma_start3A_146] : memref<128x64xf32, #tpu.memory_space<vmem>> -> memref<72x64xf32, #tpu.memory_space<vmem>>
        %dma_start3A_148 = arith.constant 128 : i32
        %dma_start3A_149 = arith.constant 0 : i32
        %dma_start3A_150 = tpu.memref_slice %arg4[%add3A_118, %dma_start3A_148, %dma_start3A_149] : memref<4096x200x64xf32, #tpu.memory_space<hbm>> -> memref<1x72x64xf32, #tpu.memory_space<hbm>>
        %dma_start3A_151 = tpu.memref_squeeze %dma_start3A_150 : memref<1x72x64xf32, #tpu.memory_space<hbm>> -> memref<72x64xf32, #tpu.memory_space<hbm>>
        %dma_start3A_152 = arith.constant 128 : i32
        %dma_start3A_153 = arith.constant 0 : i32
        %dma_start3A_154 = tpu.memref_slice %arg4[%add3A_118, %dma_start3A_152, %dma_start3A_153] : memref<4096x200x64xf32, #tpu.memory_space<hbm>> -> memref<1x72x64xf32, #tpu.memory_space<hbm>>
        %dma_start3A_155 = tpu.memref_squeeze %dma_start3A_154 : memref<1x72x64xf32, #tpu.memory_space<hbm>> -> memref<72x64xf32, #tpu.memory_space<hbm>>
        %dma_start3A_156 = arith.constant 56 : i32
        %dma_start3A_157 = arith.constant 0 : i32
        %dma_start3A_158 = tpu.memref_slice %arg9[%dma_start3A_156, %dma_start3A_157] : memref<128x64xf32, #tpu.memory_space<vmem>> -> memref<72x64xf32, #tpu.memory_space<vmem>>
        tpu.enqueue_dma source(%dma_start3A_158 : memref<72x64xf32, #tpu.memory_space<vmem>>) target(%dma_start3A_155 : memref<72x64xf32, #tpu.memory_space<hbm>>) target_semaphore(%arg17 : memref<!tpu.dma_semaphore, #tpu.memory_space<semaphore_mem>>)
        %add3A_159 = arith.constant 1 : i32
        %add3A_160 = arith.addi %scan3A_77, %add3A_159 : i32
        %lt3A_161 = arith.constant 128 : i32
        %lt3A_162 = arith.cmpi slt, %add3A_160, %lt3A_161 : i32
        %convert_element_type3A_163 = arith.extui %lt3A_162 : i1 to i32
        %cond3A_164 = arith.constant 0 : i32
        %cond3A_165 = arith.cmpi ne, %convert_element_type3A_163, %cond3A_164 : i32
        scf.if %cond3A_165 {
          %ge3A = arith.constant 1 : i32
          %ge3A_166 = arith.cmpi sge, %scan3A_77, %ge3A : i32
          %convert_element_type3A_167 = arith.extui %ge3A_166 : i1 to i32
          %cond3A_168 = arith.constant 0 : i32
          %cond3A_169 = arith.cmpi ne, %convert_element_type3A_167, %cond3A_168 : i32
          scf.if %cond3A_169 {
            %mul3A_190 = arith.constant 128 : i32
            %mul3A_191 = arith.muli %add3A, %mul3A_190 : i32
            %add3A_192 = arith.addi %mul3A_191, %scan3A_77 : i32
            %sub3A = arith.constant 1 : i32
            %sub3A_193 = arith.subi %add3A_192, %sub3A : i32
            %dma_wait3A_194 = arith.constant 0 : i32
            %dma_wait3A_195 = arith.constant 0 : i32
            %dma_wait3A_196 = tpu.memref_slice %arg4[%sub3A_193, %dma_wait3A_194, %dma_wait3A_195] : memref<4096x200x64xf32, #tpu.memory_space<hbm>> -> memref<1x128x64xf32, #tpu.memory_space<hbm>>
            %dma_wait3A_197 = tpu.memref_squeeze %dma_wait3A_196 : memref<1x128x64xf32, #tpu.memory_space<hbm>> -> memref<128x64xf32, #tpu.memory_space<hbm>>
            %dma_wait3A_198 = arith.constant 0 : i32
            %dma_wait3A_199 = arith.constant 0 : i32
            %dma_wait3A_200 = tpu.memref_slice %arg4[%sub3A_193, %dma_wait3A_198, %dma_wait3A_199] : memref<4096x200x64xf32, #tpu.memory_space<hbm>> -> memref<1x128x64xf32, #tpu.memory_space<hbm>>
            %dma_wait3A_201 = tpu.memref_squeeze %dma_wait3A_200 : memref<1x128x64xf32, #tpu.memory_space<hbm>> -> memref<128x64xf32, #tpu.memory_space<hbm>>
            tpu.wait_dma2 semaphore(%arg14 : memref<!tpu.dma_semaphore, #tpu.memory_space<semaphore_mem>>) src(%arg6 : memref<128x64xf32, #tpu.memory_space<vmem>>) dst(%dma_wait3A_201 : memref<128x64xf32, #tpu.memory_space<hbm>>)
            %dma_wait3A_202 = arith.constant 56 : i32
            %dma_wait3A_203 = arith.constant 0 : i32
            %dma_wait3A_204 = tpu.memref_slice %arg7[%dma_wait3A_202, %dma_wait3A_203] : memref<128x64xf32, #tpu.memory_space<vmem>> -> memref<72x64xf32, #tpu.memory_space<vmem>>
            %dma_wait3A_205 = arith.constant 128 : i32
            %dma_wait3A_206 = arith.constant 0 : i32
            %dma_wait3A_207 = tpu.memref_slice %arg4[%sub3A_193, %dma_wait3A_205, %dma_wait3A_206] : memref<4096x200x64xf32, #tpu.memory_space<hbm>> -> memref<1x72x64xf32, #tpu.memory_space<hbm>>
            %dma_wait3A_208 = tpu.memref_squeeze %dma_wait3A_207 : memref<1x72x64xf32, #tpu.memory_space<hbm>> -> memref<72x64xf32, #tpu.memory_space<hbm>>
            %dma_wait3A_209 = arith.constant 128 : i32
            %dma_wait3A_210 = arith.constant 0 : i32
            %dma_wait3A_211 = tpu.memref_slice %arg4[%sub3A_193, %dma_wait3A_209, %dma_wait3A_210] : memref<4096x200x64xf32, #tpu.memory_space<hbm>> -> memref<1x72x64xf32, #tpu.memory_space<hbm>>
            %dma_wait3A_212 = tpu.memref_squeeze %dma_wait3A_211 : memref<1x72x64xf32, #tpu.memory_space<hbm>> -> memref<72x64xf32, #tpu.memory_space<hbm>>
            %dma_wait3A_213 = arith.constant 56 : i32
            %dma_wait3A_214 = arith.constant 0 : i32
            %dma_wait3A_215 = tpu.memref_slice %arg7[%dma_wait3A_213, %dma_wait3A_214] : memref<128x64xf32, #tpu.memory_space<vmem>> -> memref<72x64xf32, #tpu.memory_space<vmem>>
            tpu.wait_dma2 semaphore(%arg15 : memref<!tpu.dma_semaphore, #tpu.memory_space<semaphore_mem>>) src(%dma_wait3A_215 : memref<72x64xf32, #tpu.memory_space<vmem>>) dst(%dma_wait3A_212 : memref<72x64xf32, #tpu.memory_space<hbm>>)
          } else {
          }
          %add3A_170 = arith.constant 1 : i32
          %add3A_171 = arith.addi %scan3A_77, %add3A_170 : i32
          %mul3A_172 = arith.constant 2 : i32
          %mul3A_173 = arith.muli %mul3A_172, %add3A_171 : i32
          %dma_start3A_174 = arith.constant 0 : i32
          %dma_start3A_175 = tpu.memref_slice %arg5[%mul3A_173, %dma_start3A_174] : memref<256x128xi32, #tpu.memory_space<vmem>> -> memref<1x128xi32, #tpu.memory_space<vmem>>
          %dma_start3A_176 = tpu.memref_squeeze %dma_start3A_175 : memref<1x128xi32, #tpu.memory_space<vmem>> -> memref<128xi32, #tpu.memory_space<vmem>>
          %dma_start3A_177 = arith.constant 0 : i32
          %dma_start3A_178 = arith.constant 0 : i32
          %dma_start3A_179 = tpu.memref_slice %arg19[%dma_start3A_177, %dma_start3A_178] : memref<960x64xf32, #tpu.memory_space<vmem_shared>> -> memref<960x64xf32, #tpu.memory_space<vmem_shared>>
          tpu.enqueue_indirect_dma source(%dma_start3A_179 : memref<960x64xf32, #tpu.memory_space<vmem_shared>>) target(%arg6 : memref<128x64xf32, #tpu.memory_space<vmem>>) offsets(%dma_start3A_176 : memref<128xi32, #tpu.memory_space<vmem>>) semaphore(%arg10 : memref<!tpu.dma_semaphore, #tpu.memory_space<semaphore_mem>>)
          %mul3A_180 = arith.constant 2 : i32
          %mul3A_181 = arith.muli %mul3A_180, %add3A_171 : i32
          %add3A_182 = arith.constant 1 : i32
          %add3A_183 = arith.addi %mul3A_181, %add3A_182 : i32
          %dma_start3A_184 = arith.constant 0 : i32
          %dma_start3A_185 = tpu.memref_slice %arg5[%add3A_183, %dma_start3A_184] : memref<256x128xi32, #tpu.memory_space<vmem>> -> memref<1x128xi32, #tpu.memory_space<vmem>>
          %dma_start3A_186 = tpu.memref_squeeze %dma_start3A_185 : memref<1x128xi32, #tpu.memory_space<vmem>> -> memref<128xi32, #tpu.memory_space<vmem>>
          %dma_start3A_187 = arith.constant 0 : i32
          %dma_start3A_188 = arith.constant 0 : i32
          %dma_start3A_189 = tpu.memref_slice %arg19[%dma_start3A_187, %dma_start3A_188] : memref<960x64xf32, #tpu.memory_space<vmem_shared>> -> memref<960x64xf32, #tpu.memory_space<vmem_shared>>
          tpu.enqueue_indirect_dma source(%dma_start3A_189 : memref<960x64xf32, #tpu.memory_space<vmem_shared>>) target(%arg7 : memref<128x64xf32, #tpu.memory_space<vmem>>) offsets(%dma_start3A_186 : memref<128xi32, #tpu.memory_space<vmem>>) semaphore(%arg11 : memref<!tpu.dma_semaphore, #tpu.memory_space<semaphore_mem>>)
        } else {
        }
      } else {
      }
      %scan3A_115 = arith.constant 0 : i32
      scf.yield %scan3A_115 : i32
    }
    %scan3A_25 = arith.constant 128 : i32
    %mul3A_26 = arith.constant 128 : i32
    %mul3A_27 = arith.muli %add3A, %mul3A_26 : i32
    %add3A_28 = arith.constant 126 : i32
    %add3A_29 = arith.addi %mul3A_27, %add3A_28 : i32
    %dma_wait3A = arith.constant 0 : i32
    %dma_wait3A_30 = arith.constant 0 : i32
    %dma_wait3A_31 = tpu.memref_slice %arg4[%add3A_29, %dma_wait3A, %dma_wait3A_30] : memref<4096x200x64xf32, #tpu.memory_space<hbm>> -> memref<1x128x64xf32, #tpu.memory_space<hbm>>
    %dma_wait3A_32 = tpu.memref_squeeze %dma_wait3A_31 : memref<1x128x64xf32, #tpu.memory_space<hbm>> -> memref<128x64xf32, #tpu.memory_space<hbm>>
    %dma_wait3A_33 = arith.constant 0 : i32
    %dma_wait3A_34 = arith.constant 0 : i32
    %dma_wait3A_35 = tpu.memref_slice %arg4[%add3A_29, %dma_wait3A_33, %dma_wait3A_34] : memref<4096x200x64xf32, #tpu.memory_space<hbm>> -> memref<1x128x64xf32, #tpu.memory_space<hbm>>
    %dma_wait3A_36 = tpu.memref_squeeze %dma_wait3A_35 : memref<1x128x64xf32, #tpu.memory_space<hbm>> -> memref<128x64xf32, #tpu.memory_space<hbm>>
    tpu.wait_dma2 semaphore(%arg14 : memref<!tpu.dma_semaphore, #tpu.memory_space<semaphore_mem>>) src(%arg6 : memref<128x64xf32, #tpu.memory_space<vmem>>) dst(%dma_wait3A_36 : memref<128x64xf32, #tpu.memory_space<hbm>>)
    %dma_wait3A_37 = arith.constant 56 : i32
    %dma_wait3A_38 = arith.constant 0 : i32
    %dma_wait3A_39 = tpu.memref_slice %arg7[%dma_wait3A_37, %dma_wait3A_38] : memref<128x64xf32, #tpu.memory_space<vmem>> -> memref<72x64xf32, #tpu.memory_space<vmem>>
    %dma_wait3A_40 = arith.constant 128 : i32
    %dma_wait3A_41 = arith.constant 0 : i32
    %dma_wait3A_42 = tpu.memref_slice %arg4[%add3A_29, %dma_wait3A_40, %dma_wait3A_41] : memref<4096x200x64xf32, #tpu.memory_space<hbm>> -> memref<1x72x64xf32, #tpu.memory_space<hbm>>
    %dma_wait3A_43 = tpu.memref_squeeze %dma_wait3A_42 : memref<1x72x64xf32, #tpu.memory_space<hbm>> -> memref<72x64xf32, #tpu.memory_space<hbm>>
    %dma_wait3A_44 = arith.constant 128 : i32
    %dma_wait3A_45 = arith.constant 0 : i32
    %dma_wait3A_46 = tpu.memref_slice %arg4[%add3A_29, %dma_wait3A_44, %dma_wait3A_45] : memref<4096x200x64xf32, #tpu.memory_space<hbm>> -> memref<1x72x64xf32, #tpu.memory_space<hbm>>
    %dma_wait3A_47 = tpu.memref_squeeze %dma_wait3A_46 : memref<1x72x64xf32, #tpu.memory_space<hbm>> -> memref<72x64xf32, #tpu.memory_space<hbm>>
    %dma_wait3A_48 = arith.constant 56 : i32
    %dma_wait3A_49 = arith.constant 0 : i32
    %dma_wait3A_50 = tpu.memref_slice %arg7[%dma_wait3A_48, %dma_wait3A_49] : memref<128x64xf32, #tpu.memory_space<vmem>> -> memref<72x64xf32, #tpu.memory_space<vmem>>
    tpu.wait_dma2 semaphore(%arg15 : memref<!tpu.dma_semaphore, #tpu.memory_space<semaphore_mem>>) src(%dma_wait3A_50 : memref<72x64xf32, #tpu.memory_space<vmem>>) dst(%dma_wait3A_47 : memref<72x64xf32, #tpu.memory_space<hbm>>)
    %mul3A_51 = arith.constant 128 : i32
    %mul3A_52 = arith.muli %add3A, %mul3A_51 : i32
    %add3A_53 = arith.constant 127 : i32
    %add3A_54 = arith.addi %mul3A_52, %add3A_53 : i32
    %dma_wait3A_55 = arith.constant 0 : i32
    %dma_wait3A_56 = arith.constant 0 : i32
    %dma_wait3A_57 = tpu.memref_slice %arg4[%add3A_54, %dma_wait3A_55, %dma_wait3A_56] : memref<4096x200x64xf32, #tpu.memory_space<hbm>> -> memref<1x128x64xf32, #tpu.memory_space<hbm>>
    %dma_wait3A_58 = tpu.memref_squeeze %dma_wait3A_57 : memref<1x128x64xf32, #tpu.memory_space<hbm>> -> memref<128x64xf32, #tpu.memory_space<hbm>>
    %dma_wait3A_59 = arith.constant 0 : i32
    %dma_wait3A_60 = arith.constant 0 : i32
    %dma_wait3A_61 = tpu.memref_slice %arg4[%add3A_54, %dma_wait3A_59, %dma_wait3A_60] : memref<4096x200x64xf32, #tpu.memory_space<hbm>> -> memref<1x128x64xf32, #tpu.memory_space<hbm>>
    %dma_wait3A_62 = tpu.memref_squeeze %dma_wait3A_61 : memref<1x128x64xf32, #tpu.memory_space<hbm>> -> memref<128x64xf32, #tpu.memory_space<hbm>>
    tpu.wait_dma2 semaphore(%arg16 : memref<!tpu.dma_semaphore, #tpu.memory_space<semaphore_mem>>) src(%arg8 : memref<128x64xf32, #tpu.memory_space<vmem>>) dst(%dma_wait3A_62 : memref<128x64xf32, #tpu.memory_space<hbm>>)
    %dma_wait3A_63 = arith.constant 56 : i32
    %dma_wait3A_64 = arith.constant 0 : i32
    %dma_wait3A_65 = tpu.memref_slice %arg9[%dma_wait3A_63, %dma_wait3A_64] : memref<128x64xf32, #tpu.memory_space<vmem>> -> memref<72x64xf32, #tpu.memory_space<vmem>>
    %dma_wait3A_66 = arith.constant 128 : i32
    %dma_wait3A_67 = arith.constant 0 : i32
    %dma_wait3A_68 = tpu.memref_slice %arg4[%add3A_54, %dma_wait3A_66, %dma_wait3A_67] : memref<4096x200x64xf32, #tpu.memory_space<hbm>> -> memref<1x72x64xf32, #tpu.memory_space<hbm>>
    %dma_wait3A_69 = tpu.memref_squeeze %dma_wait3A_68 : memref<1x72x64xf32, #tpu.memory_space<hbm>> -> memref<72x64xf32, #tpu.memory_space<hbm>>
    %dma_wait3A_70 = arith.constant 128 : i32
    %dma_wait3A_71 = arith.constant 0 : i32
    %dma_wait3A_72 = tpu.memref_slice %arg4[%add3A_54, %dma_wait3A_70, %dma_wait3A_71] : memref<4096x200x64xf32, #tpu.memory_space<hbm>> -> memref<1x72x64xf32, #tpu.memory_space<hbm>>
    %dma_wait3A_73 = tpu.memref_squeeze %dma_wait3A_72 : memref<1x72x64xf32, #tpu.memory_space<hbm>> -> memref<72x64xf32, #tpu.memory_space<hbm>>
    %dma_wait3A_74 = arith.constant 56 : i32
    %dma_wait3A_75 = arith.constant 0 : i32
    %dma_wait3A_76 = tpu.memref_slice %arg9[%dma_wait3A_74, %dma_wait3A_75] : memref<128x64xf32, #tpu.memory_space<vmem>> -> memref<72x64xf32, #tpu.memory_space<vmem>>
    tpu.wait_dma2 semaphore(%arg17 : memref<!tpu.dma_semaphore, #tpu.memory_space<semaphore_mem>>) src(%dma_wait3A_76 : memref<72x64xf32, #tpu.memory_space<vmem>>) dst(%dma_wait3A_73 : memref<72x64xf32, #tpu.memory_space<hbm>>)
    return
  }
}

module attributes {stable_mosaic.version = 14 : i64} {
  func.func @_prelude_body(%arg0: memref<24x32xf32, #tpu.memory_space<vmem>>, %arg1: memref<40x32xf32, #tpu.memory_space<vmem>>, %arg2: memref<4096x200xi32, #tpu.memory_space<vmem>>, %arg3: memref<4096x200xi32, #tpu.memory_space<vmem>>, %arg4: memref<960x64xf32, #tpu.memory_space<vmem>>, %arg5: memref<8192x128xi32, #tpu.memory_space<vmem>>) attributes {dimension_semantics = [], scalar_prefetch = 0 : i64, scratch_operands = 0 : i64, tpu.core_type = #tpu.core_type<tc>} {
    %get3A = arith.constant 0 : index
    %get3A_0 = arith.constant 0 : index
    %get3A_1 = vector.load %arg0[%get3A, %get3A_0] : memref<24x32xf32, #tpu.memory_space<vmem>>, vector<24x32xf32>
    %get3A_2 = arith.constant 0 : index
    %get3A_3 = arith.constant 0 : index
    %get3A_4 = vector.load %arg1[%get3A_2, %get3A_3] : memref<40x32xf32, #tpu.memory_space<vmem>>, vector<40x32xf32>
    %broadcast_in_dim3A = vector.shape_cast %get3A_1 : vector<24x32xf32> to vector<24x1x32xf32>
    %broadcast_in_dim3A_5 = vector.shape_cast %broadcast_in_dim3A : vector<24x1x32xf32> to vector<24x1x32xf32>
    %broadcast_in_dim3A_6 = vector.broadcast %broadcast_in_dim3A_5 : vector<24x1x32xf32> to vector<24x40x32xf32>
    %reshape3A = vector.shape_cast %broadcast_in_dim3A_6 : vector<24x40x32xf32> to vector<960x32xf32>
    %broadcast_in_dim3A_7 = vector.shape_cast %get3A_4 : vector<40x32xf32> to vector<1x40x32xf32>
    %broadcast_in_dim3A_8 = vector.shape_cast %broadcast_in_dim3A_7 : vector<1x40x32xf32> to vector<1x40x32xf32>
    %broadcast_in_dim3A_9 = vector.broadcast %broadcast_in_dim3A_8 : vector<1x40x32xf32> to vector<24x40x32xf32>
    %reshape3A_10 = vector.shape_cast %broadcast_in_dim3A_9 : vector<24x40x32xf32> to vector<960x32xf32>
    %concatenate3A = tpu.concatenate %reshape3A, %reshape3A_10 in 1 : vector<960x32xf32>, vector<960x32xf32> -> vector<960x64xf32>
    %swap3A = arith.constant 0 : index
    %swap3A_11 = arith.constant 0 : index
    %swap3A_12 = vector.load %arg4[%swap3A, %swap3A_11] : memref<960x64xf32, #tpu.memory_space<vmem>>, vector<960x64xf32>
    tpu.vector_store %arg4[%swap3A, %swap3A_11], %concatenate3A {strides = array<i32>} : memref<960x64xf32, #tpu.memory_space<vmem>>, vector<960x64xf32>,
    %get3A_13 = arith.constant 0 : index
    %get3A_14 = arith.constant 0 : index
    %get3A_15 = vector.load %arg2[%get3A_13, %get3A_14] : memref<4096x200xi32, #tpu.memory_space<vmem>>, vector<4096x200xi32>
    %mul3A = arith.constant 40 : i32
    %mul3A_16 = vector.broadcast %mul3A : i32 to vector<4096x200xi32>
    %mul3A_17 = arith.muli %get3A_15, %mul3A_16 : vector<4096x200xi32>
    %get3A_18 = arith.constant 0 : index
    %get3A_19 = arith.constant 0 : index
    %get3A_20 = vector.load %arg3[%get3A_18, %get3A_19] : memref<4096x200xi32, #tpu.memory_space<vmem>>, vector<4096x200xi32>
    %add3A = arith.addi %mul3A_17, %get3A_20 : vector<4096x200xi32>
    %slice3A = vector.extract_strided_slice %add3A {offsets = [0, 0], sizes = [4096, 128], strides = [1, 1]} : vector<4096x200xi32> to vector<4096x128xi32>
    %slice3A_21 = vector.extract_strided_slice %add3A {offsets = [0, 72], sizes = [4096, 128], strides = [1, 1]} : vector<4096x200xi32> to vector<4096x128xi32>
    %stack3A = vector.shape_cast %slice3A : vector<4096x128xi32> to vector<4096x1x128xi32>
    %stack3A_22 = vector.shape_cast %slice3A_21 : vector<4096x128xi32> to vector<4096x1x128xi32>
    %stack3A_23 = tpu.concatenate %stack3A, %stack3A_22 in 1 : vector<4096x1x128xi32>, vector<4096x1x128xi32> -> vector<4096x2x128xi32>
    %reshape3A_24 = vector.shape_cast %stack3A_23 : vector<4096x2x128xi32> to vector<8192x128xi32>
    %swap3A_25 = arith.constant 0 : index
    %swap3A_26 = arith.constant 0 : index
    %swap3A_27 = vector.load %arg5[%swap3A_25, %swap3A_26] : memref<8192x128xi32, #tpu.memory_space<vmem>>, vector<8192x128xi32>
    tpu.vector_store %arg5[%swap3A_25, %swap3A_26], %reshape3A_24 {strides = array<i32>} : memref<8192x128xi32, #tpu.memory_space<vmem>>, vector<8192x128xi32>,
    return
  }
}

</mosaic_0001>

<sc_bundles>
// kernel: kernel.4.cloned.1.call-start
scs
__scs_entry_jumppad:
0x0: {  	(pc) =	sbr.rel $0x88, $3  }
0x1: {  	(tag) =	ssettag $0x0;
	lr =	simm.s32 $0x1  }
0x2: {  	[smem:$0x3F9D] =	sst lr;
	_ =	strace $0xD0000000  }
0x3: {  	_ = 	snop  }
0x4: {  	_ = 	snop  }
0x5: {  	_ = 	snop  }
0x6: {  	_ = 	snop  }
0x7: {  	_ = 	snop  }
__scs_overlays_trampoline_lowered:
0x8: {  	[smem:$0x3FAC] =	sst s0  }
0x9: {  	[smem:$0x3FAD] =	sst s1  }
0xa: {  	[smem:$0x3FAE] =	sst s2  }
0xb: {  	[smem:$0x3FAF] =	sst s3  }
0xc: {  	[smem:$0x3FB0] =	sst s4  }
0xd: {  	[smem:$0x3FB1] =	sst s5  }
0xe: {  	[smem:$0x3FB2] =	sst s6  }
0xf: {  	[smem:$0x3FB3] =	sst s7  }
0x10: {  	[smem:$0x3FB4] =	sst s8  }
0x11: {  	[smem:$0x3FB5] =	sst s9;
	s0 =	simm.s32 @!p0 $0x0  }
0x12: {  	s1 =	sld [smem:$0x3F9B];
	s0 =	simm.s32 @p0 $0x1  }
0x13: {  	[smem:$0x3FB6] =	sst s0;
	s0 =	simm.s32 @!p1 $0x0  }
0x14: {  	s2 =	sld [smem:$0x3F9A];
	s0 =	simm.s32 @p1 $0x1  }
0x15: {  	[smem:$0x3FB7] =	sst s0;
	s0 =	simm.s32 @!p2 $0x0  }
0x16: {  	s3 =	sld [smem:$0x3FDB];
	s0 =	simm.s32 @p2 $0x1  }
0x17: {  	s4 =	simm.s32 $0x1BF5;
	[smem:$0x3FB9] =	sst s0  }
0x18: {  	s0 =	sld [smem:$0x3F9C];
	_ =	swait.ge [sflag:s4], $0x0  }
0x19: {  	s7 =	sld [smem:$0x3F9D]  }
0x1a: {  	s8 =	sadd.s32 $0xFFFFE003, lr  }
0x1b: {  	s9 =	sadd.s32 $0xFFFFFEF7, lr;
	s5 =	simm.s32 $0xFFFFFFFF;
	p2 =	slt.u32 s8, $0xFFFFF086  }
0x1c: {  	p1 =	slt.u32 s9, $0xF7A;
	s5 =	simm.s32 @!p2 $0x0  }
0x1d: {  	s5 =	simm.s32 @p1 $0x1;
	p0 =	seq.s32 s7, s2  }
0x1e: {  	s7 =	smul.u32 @!p0 $0xF7A, s2;
	p2 =	seq.s32 @!p0 s5, $0x0  }
0x1f: {  	s9 =	smul.u32 $0xF7A, s1;
	s8 =	simm.s32 @!p0 $0x1BF5;
	p2 =	por !p2, p0  }
0x20: {  	[sflag:s8] =	ssyncset.s32 @!p0 $0xFFFFF086;
	s6 =	sadd.s32 @!p0 s3, s7;
	s7 =	simm.s32 @!p0 $0x108  }
0x21: {  	s3 =	sadd.s32 s3, s9;
	s6 =	sadd.s32 @!p0 $0x88, s6;
	s7 =	simm.s32 @p2 $0x1082  }
0x22: {  	[simem:s7], [sflag:s8] =	dma.local @!p0 [hbm:s6], $0xF7A  }
0x23: {  	s9 =	sor.u32 $0xD0000000, s2;
	s6 =	simm.s32 $0x108;
	_ =	swait.ge @!p0 [sflag:s8], $0x0  }
0x24: {  	s3 =	sadd.s32 $0x88, s3;
	s6 =	simm.s32 @!p1 $0x1082;
	[sflag:s4] =	ssyncset.s32 $0xFFFFF086  }
0x25: {  	[simem:s6], [sflag:s4] =	dma.local [hbm:s3], $0xF7A  }
0x26: {  	[smem:$0x3F9D] =	sst s1;
	(tag) =	ssettag s2;
	_ =	strace s9  }
0x27: {  	s1 =	sld [smem:$0x3FAD]  }
0x28: {  	s2 =	sld [smem:$0x3FAE]  }
0x29: {  	s4 =	sld [smem:$0x3FB0]  }
0x2a: {  	p0 =	seq.s32 s5, $0x0;
	s5 =	sld [smem:$0x3FB1]  }
0x2b: {  	s6 =	sld [smem:$0x3FB2]  }
0x2c: {  	s7 =	sld [smem:$0x3FB3]  }
0x2d: {  	s3 =	simm.s32 $0x108;
	s8 =	sld [smem:$0x3FB4]  }
0x2e: {  	s3 =	simm.s32 @!p0 $0x1082;
	s9 =	sld [smem:$0x3FB5]  }
0x2f: {  	lr =	sadd.s32 s0, s3;
	s0 =	sld [smem:$0x3FAC]  }
0x30: {  	s3 =	sld [smem:$0x3FAF]  }
0x31: {  	[smem:$0x3FB8] =	sst s10  }
0x32: {  	s10 =	sld [smem:$0x3FB6];
	_ =	sdelay $0x3  }
0x33: {  	p0 =	seq.s32 s10, $0x1;
	s10 =	sld [smem:$0x3FB8];
	_ =	sdelay $0x3  }
0x34: {  	[smem:$0x3FB8] =	sst s10  }
0x35: {  	s10 =	sld [smem:$0x3FB7];
	_ =	sdelay $0x3  }
0x36: {  	p1 =	seq.s32 s10, $0x1;
	s10 =	sld [smem:$0x3FB8];
	_ =	sdelay $0x3  }
0x37: {  	[smem:$0x3FB8] =	sst s10  }
0x38: {  	s10 =	sld [smem:$0x3FB9]  }
0x39: {  	_ = 	snop;
	(pc) =	sbr.ind lr, $3  }
0x3a: {  	_ = 	snop  }
0x3b: {  	_ = 	snop  }
0x3c: {  	p2 =	seq.s32 s10, $0x1;
	s10 =	sld [smem:$0x3FB8]  }
0x3d: {  	_ =	shalt  }
0x3e: {  	_ =	shalt  }
0x3f: {  	_ =	shalt  }
0x40: {  	_ =	shalt  }
0x41: {  	_ =	shalt  }
0x42: {  	_ =	shalt  }
0x43: {  	_ =	shalt  }
0x44: {  	_ =	shalt  }
0x45: {  	_ =	shalt  }
0x46: {  	_ =	shalt  }
0x47: {  	_ =	shalt  }
0x48: {  	_ =	shalt  }
0x49: {  	_ =	shalt  }
0x4a: {  	_ =	shalt  }
0x4b: {  	_ =	shalt  }
0x4c: {  	_ =	shalt  }
0x4d: {  	_ =	shalt  }
0x4e: {  	_ =	shalt  }
0x4f: {  	_ =	shalt  }
0x50: {  	_ =	shalt  }
0x51: {  	_ =	shalt  }
0x52: {  	_ =	shalt  }
0x53: {  	_ =	shalt  }
0x54: {  	_ =	shalt  }
0x55: {  	_ =	shalt  }
0x56: {  	_ =	shalt  }
0x57: {  	_ =	shalt  }
0x58: {  	_ =	shalt  }
0x59: {  	_ =	shalt  }
0x5a: {  	_ =	shalt  }
0x5b: {  	_ =	shalt  }
0x5c: {  	_ =	shalt  }
0x5d: {  	_ =	shalt  }
0x5e: {  	_ =	shalt  }
0x5f: {  	_ =	shalt  }
0x60: {  	_ =	shalt  }
0x61: {  	_ =	shalt  }
0x62: {  	_ =	shalt  }
0x63: {  	_ =	shalt  }
0x64: {  	_ =	shalt  }
0x65: {  	_ =	shalt  }
0x66: {  	_ =	shalt  }
0x67: {  	_ =	shalt  }
0x68: {  	_ =	shalt  }
0x69: {  	_ =	shalt  }
0x6a: {  	_ =	shalt  }
0x6b: {  	_ =	shalt  }
0x6c: {  	_ =	shalt  }
0x6d: {  	_ =	shalt  }
0x6e: {  	_ =	shalt  }
0x6f: {  	_ =	shalt  }
0x70: {  	_ =	shalt  }
0x71: {  	_ =	shalt  }
0x72: {  	_ =	shalt  }
0x73: {  	_ =	shalt  }
0x74: {  	_ =	shalt  }
0x75: {  	_ =	shalt  }
0x76: {  	_ =	shalt  }
0x77: {  	_ =	shalt  }
0x78: {  	_ =	shalt  }
0x79: {  	_ =	shalt  }
0x7a: {  	_ =	shalt  }
0x7b: {  	_ =	shalt  }
0x7c: {  	_ =	shalt  }
0x7d: {  	_ =	shalt  }
0x7e: {  	_ =	shalt  }
0x7f: {  	_ =	shalt  }
0x80: {  	_ =	shalt  }
0x81: {  	_ =	shalt  }
0x82: {  	_ =	shalt  }
0x83: {  	_ =	shalt  }
0x84: {  	_ =	shalt  }
0x85: {  	_ =	shalt  }
0x86: {  	_ =	shalt  }
0x87: {  	_ =	shalt  }
.Lfunc_end0:
.L_simem_size_0:
called_computation_lowered:
.L_overlay_start_0:
0x88: {  	s2 =	sld [smem:$0x3FD9]  }
0x89: {  	s3 =	sld [smem:$0x3FFE];
	_ =	sdelay $0x1  }
0x8a: {  	s1 =	srdreg.scid  }
0x8b: {  	s0 =	sand.u32 $0x1, s1  }
0x8c: {  	s17 =	sshll.u32 s0, $0xA;
	s2 =	sadd.s32 s3, s2  }
0x8d: {  	s2 =	sadd.s32 s2, s17  }
0x8e: {  	[smem:$0x3FC4] =	sst s2  }
0x8f: {  	_ = 	snop  }
0x90: {  	s2 =	sld [smem:$0x3FD0];
	(tm) =	ssettm $0x1  }
0x91: {  	s18 =	sld [smem:$0x3FFB];
	_ =	sdelay $0x3  }
0x92: {  	_ =	strace s18  }
0x93: {  	s3 =	sld [smem:$0x3FFC];
	_ =	sdelay $0x3  }
0x94: {  	_ =	strace s3  }
0x95: {  	s3 =	sld [smem:$0x3FFD];
	_ =	sdelay $0x3  }
0x96: {  	_ =	strace s3  }
0x97: {  	_ =	strace $0x8FFFFFFF  }
0x98: {  	s19 =	sld [smem:$0x3FDB];
	_ =	sdelay $0x1  }
0x99: {  	s4 =	simm.s32 $_scs_section_size  }
0x9a: {  	s5 =	simm.s32 $_size__tile_overlayer_lowered;
	s6 =	simm.s32 $_tile_overlayer_lowered  }
0x9b: {  	s22 =	simm.s32 $0x1BFF;
	s21 =	sshll.u32 s6, $0x1;
	s3 =	sadd.s32 s4, s19  }
0x9c: {  	s7 =	simm.s32 $0x0;
	s20 =	sshll.u32 s5, $0x1;
	s5 =	sadd.s32 s21, s3  }
0x9d: {  	[timem:s7], [sflag:s22] =	dma.local [hbm:s5], s20  }
0x9e: {  	_ =	swait.ge [sflag:s22], s20  }
0x9f: {  	s4 =	ssub.s32 $0x0, s20;
	[sflag:s22] =	ssyncset.done $0x0  }
0xa0: {  	[sflag:s22] =	ssyncadd.s32 s4;
	_ =	sdelay $0x1  }
0xa1: {  	s23 =	simm.s32 $0x1B8B  }
0xa2: {  	_ =	swait.ge [sflag:s23], $0x1  }
0xa3: {  	[sflag:s23] =	ssyncset.done $0x0  }
0xa4: {  	s25 =	simm.s32 $0x1B8E;
	s24 =	sld [smem:$0x3FFE];
	[sflag:s23] =	ssyncadd.s32 $0xFFFFFFFF  }
0xa5: {  	s26 =	simm.s32 $execute0_lowered;
	[smem:$0x3FD2] =	sst s25  }
0xa6: {  	s5 =	sshll.u32 s26, $0x1;
	_ =	strace $0x80000046;
	[dreg:$0x1] =	wrdreg $0xFFFFFFFF  }
0xa7: {  	s28 =	simm.s32 $_size_execute0_lowered;
	s3 =	sadd.s32 s3, s5;
	[dreg:$0x0] =	wrdreg $0x0  }
0xa8: {  	s5 =	sshll.u32 s28, $0x1;
	[dreg:$0x2] =	wrdreg s3  }
0xa9: {  	[dreg:$0x3] =	wrdreg s5  }
0xaa: {  	[dreg:$0x4] =	wrdreg $0xC0  }
0xab: {  	_ =	task [dreg:s7], $0x5FFFF  }
0xac: {  	[dreg:$0x1] =	wrdreg $0xFFFFFFFF  }
0xad: {  	[dreg:$0x0] =	wrdreg $0x60  }
0xae: {  	[dreg:$0x2] =	wrdreg s2  }
0xaf: {  	[dreg:$0x3] =	wrdreg s24  }
0xb0: {  	[dreg:$0x4] =	wrdreg $0x180000  }
0xb1: {  	[dreg:$0x5] =	wrdreg $0x9  }
0xb2: {  	_ =	task.clear_ibuf [dreg:s7], $0x6FFFF;
	_ =	strace $0x90000046  }
0xb3: {  	s29 =	simm.s32 $0x9;
	_ =	strace $0x80000048  }
0xb4: {  	_ =	swait.ge [sflag:s29], $0x1  }
0xb5: {  	[sflag:s29] =	ssyncadd.s32 $0xFFFFFFFF  }
0xb6: {  	_ =	strace $0x90000048  }
0xb7: {  	_ =	sfence  }
0xb8: {  	s30 =	sld [smem:$0x0];
	_ =	sdelay $0x2  }
0xb9: {  	s31 =	sshll.u32 s1, $0xD;
	s1 =	sshrl.u32 s1, $0x2  }
0xba: {  	s3 =	sand.u32 $0x4000, s31;
	s1 =	sadd.s32 s1, s30  }
0xbb: {  	s0 =	sor.u32 s3, s0;
	s1 =	sshll.u32 s1, $0x11  }
0xbc: {  	s0 =	sor.u32 s1, s0  }
0xbd: {  	s0 =	sadd.s32 $0x8F2B, s0  }
0xbe: {  	[sflag:s0] =	ssyncadd.remote.s32 $0x1  }
0xbf: {  	_ =	sfence.sel $0xFFFF  }
0xc0: {  	[dreg:$0x0] =	wrdreg $0xFFFFFFFF;
	(pc) =	sbr.abs _section_cstart, $3  }
0xc1: {  	[dreg:$0x1] =	wrdreg $0xFFFFFFFF  }
0xc2: {  	_ =	task.clear_ibuf [dreg:s7], $0x2FFFF;
	_ =	strace $0x9FFFFFFF  }
0xc3: {  	(tm) =	ssettm $0x7FFFFFFF  }
tec
execute0_lowered:
.L_overlay_start_1:
0x0: {  	(tag) =	ssettag $0x1  }
0x1: {  	s0 =	rddreg [dreg:$0x0]  }
0x2: {  	s4 =	rddreg [dreg:$0x1]  }
0x3: {  	s1 =	rddreg [dreg:$0x2];
	s2 =	simm.s32 $0x0;
	s5 =	srdreg.scid  }
0x4: {  	s10 =	stileid.u32;
	s12 =	simm.s32 $0x80;
	s13 =	simm.s32 $0x8000  }
0x5: {  	s14 =	simm.s32 $0xC000;
	s15 =	simm.s32 $0x3;
	s16 =	simm.s32 $0x4  }
0x6: {  	s17 =	simm.s32 $0x10000;
	s18 =	simm.s32 $0x15C00;
	s19 =	simm.s32 $0x5  }
0x7: {  	s20 =	simm.s32 $0x6;
	s21 =	simm.s32 $0x7;
	s22 =	simm.s32 $0x8  }
0x8: {  	s23 =	simm.s32 $0x14000;
	s24 =	simm.s32 $0x0;
	[smem:$0x7FF] =	sst s2  }
0x9: {  	s3 =	sadd.s32 $0xE00, s4;
	s5 =	sand.u32 $0x1, s5;
	s6 =	smul.u32 $0x640000, s10  }
0xa: {  	s8 =	sshll.u32 s10, $0x1;
	s4 =	sadd.s32 $0x4A00, s4;
	p0 =	sne.s32 s10, $0x0  }
0xb: {  	_ =	strace $0x80000047;
	[dreg:$0x4] =	wrdreg s3;
	s7 =	ssub.s32 $0x2, s5  }
0xc: {  	s9 =	smul.u32 $0x320000, s5;
	s8 =	sor.u32 s5, s8;
	s10 =	sshrl.u32 @!p0 s1, $0x3  }
.Ltmp0:
0xd: {  	s11 =	sshrl.u32 s7, $0x1;
	s5 =	sshll.u32 s8, $0xC;
	(pc) =	sbr.rel .LBB2_1-.Ltmp0, $4  }
0xe: {  	s7 =	ssub.s32 s7, s11;
	s9 =	sadd.s32 s9, s6;
	s0 =	sadd.s32 s0, s5  }
0xf: {  	s6 =	sshll.u32 s8, $0x7;
	s11 =	simm.s32 $0x9;
	s31 =	sor.u32 $0x4000, s9  }
0x10: {  	[dreg:$0x5] =	wrdreg s0;
	s9 =	sshrl.u32 s9, $0x3;
	s0 =	sshrl.u32 s31, $0x3  }
0x11: {  	s7 =	smax.u32 s7, $0x1;
	s9 =	sadd.s32 s9, s4;
	s8 =	sadd.s32 s0, s4  }
.LBB2_10:
0x12: {  	_ =	swait.ge [sflag:s19], $0x4000  }
0x13: {  	[sflag:s19] =	ssyncset.done $0x0  }
0x14: {  	[sflag:s19] =	ssyncadd.s32 $0xFFFFC000  }
0x15: {  	_ =	swait.ge [sflag:s20], $0x2400  }
0x16: {  	[sflag:s20] =	ssyncset.done $0x0  }
0x17: {  	s24 =	sadd.s32 $0x1, s24;
	[sflag:s20] =	ssyncadd.s32 $0xFFFFDC00  }
0x18: {  	p1 =	sne.s32 s24, s7;
	_ =	swait.ge [sflag:s21], $0x4000  }
.Ltmp1:
0x19: {  	[sflag:s21] =	ssyncset.done $0x0;
	(pc) =	sbr.rel @!p1 .LBB2_11-.Ltmp1, $4  }
0x1a: {  	[sflag:s21] =	ssyncadd.s32 $0xFFFFC000  }
0x1b: {  	_ =	swait.ge [sflag:s22], $0x2400  }
0x1c: {  	[sflag:s22] =	ssyncset.done $0x0  }
0x1d: {  	[sflag:s22] =	ssyncadd.s32 $0xFFFFDC00  }
.LBB2_1:
0x1e: {  	s0 =	simm.s32 @!p0 $0x1C09;
	s3 =	rddreg [dreg:$0x4]  }
0x1f: {  	[spmem:s10], [sflag:s0] =	dma.local @!p0 [hbm:s3], $0x3C00  }
0x20: {  	s0 =	simm.s32 @!p0 $0x9  }
0x21: {  	_ =	swait.ge @!p0 [sflag:s0], $0x3C00  }
0x22: {  	[sflag:s0] =	ssyncset.done @!p0 $0x0  }
0x23: {  	s31 =	rddreg [dreg:$0x5];
	[sflag:s0] =	ssyncadd.s32 @!p0 $0xFFFFC400  }
0x24: {  	[tilespmem:s2], [sflag:$0x9] =	stream.linear.gather [hbm4b:s31+s2], $0x8000, $0x38;
	[tilespmem:$0x18F00] =	vst v63  }
0x25: {  	_ =	swait.ge [sflag:s11], $0x8000  }
0x26: {  	[sflag:s11] =	ssyncset.done $0x0  }
.Ltmp2:
0x27: {  	[sflag:s11] =	ssyncadd.s32 $0xFFFF8000;
	(pc) =	sbr.rel .LBB2_2-.Ltmp2, $4  }
0x28: {  	s25 =	smov.u32 s9;
	[bflag:$0x0] =	sbarrier.arrive $0xFFFF  }
0x29: {  	[tilespmem:s13], [sflag:$0x1] =	stream.indirect.gather [spmem:s1], $0x40, s2, s12, $0xb8;
	[tilespmem:$0x18F00] =	vst v63  }
0x2a: {  	s26 =	smov.u32 s8;
	s28 =	simm.s32 $0x0;
	s29 =	simm.s32 $0x0  }
0x2b: {  	[tilespmem:s14], [sflag:$0x2] =	stream.indirect.gather [spmem:s1], $0x40, s12, s12, $0xb8;
	[tilespmem:$0x18F00] =	vst v63  }
.LBB2_5:
0x2c: {  	s0 =	sshra.s32 s28, $0x2  }
0x2d: {  	s3 =	sadd.s32 $0x100, s0  }
0x2e: {  	[tilespmem:s17], [sflag:$0x3] =	stream.indirect.gather [spmem:s1], $0x40, s3, s12, $0xb8;
	[tilespmem:$0x18F00] =	vst v63  }
0x2f: {  	s0 =	sadd.s32 $0x180, s0  }
0x30: {  	[tilespmem:s23], [sflag:$0x4] =	stream.indirect.gather [spmem:s1], $0x40, s0, s12, $0xb8;
	[tilespmem:$0x18F00] =	vst v63  }
.LBB2_9:
0x31: {  	s28 =	sadd.s32 $0x400, s28  }
0x32: {  	p1 =	sne.s32 s28, $0x20000  }
.Ltmp3:
0x33: {  	_ = 	snop;
	(pc) =	sbr.rel @!p1 .LBB2_10-.Ltmp3, $2  }
0x34: {  	_ =	sdelay $0x2  }
0x35: {  	s29 =	sadd.s32 $0x1, s29;
	s26 =	sadd.s32 $0xC80, s26;
	s25 =	sadd.s32 $0xC80, s25  }
.LBB2_2:
0x36: {  	s30 =	sand.u32 $0x1, s29  }
0x37: {  	p1 =	seq.s32 s30, $0x1  }
0x38: {  	s0 =	simm.s32 @!p1 $0x1  }
0x39: {  	_ =	swait.ge @!p1 [sflag:s0], $0x2000  }
0x3a: {  	[sflag:s0] =	ssyncset.done @!p1 $0x0  }
0x3b: {  	[sflag:s0] =	ssyncadd.s32 @!p1 $0xFFFFE000;
	s0 =	simm.s32 @!p1 $0x2  }
0x3c: {  	_ =	swait.ge @!p1 [sflag:s0], $0x2000  }
0x3d: {  	s31 =	simm.s32 @!p1 $0x0;
	s3 =	simm.s32 @!p1 $0x8000;
	[sflag:s0] =	ssyncset.done @!p1 $0x0  }
0x3e: {  	p2 =	seq.s32 @!p1 s29, $0x7F;
	[sflag:s0] =	ssyncadd.s32 @!p1 $0xFFFFE000;
	s0 =	sadd.s32 @!p1 s6, s29  }
0x3f: {  	[hbm4b:s25+s31] =	stream.linear.scatter @!p1 [tilespmem:s3], [sflag:$0x5], $0x4000, $0x38;
	[tilespmem:$0x18F00] =	vst v63  }
0x40: {  	p2 =	por p1, p2;
	s0 =	smul.u32 @!p1 $0x6400, s0  }
.Ltmp4:
0x41: {  	s3 =	simm.s32 @!p1 $0xDC00;
	(pc) =	sbr.rel @p2 .LBB2_3-.Ltmp4, $4  }
0x42: {  	[hbm4b:s26+s31] =	stream.linear.scatter @!p1 [tilespmem:s3], [sflag:$0x6], $0x2400, $0x38;
	[tilespmem:$0x18F00] =	vst v63  }
0x43: {  	s0 =	sshrl.u32 @!p1 s0, $0x3  }
0x44: {  	s31 =	sadd.s32 @!p1 s4, s0  }
0x45: {  	s0 =	sadd.s32 @!p1 $0x800, s31  }
0x46: {  	p1 =	sne.s32 s29, $0x0  }
.Ltmp5:
0x47: {  	_ = 	snop;
	(pc) =	sbr.rel @!p1 .LBB2_5-.Ltmp5, $1  }
0x48: {  	_ =	sdelay $0x3  }
0x49: {  	_ =	swait.ge [sflag:s21], $0x4000  }
0x4a: {  	[sflag:s21] =	ssyncset.done $0x0  }
0x4b: {  	[sflag:s21] =	ssyncadd.s32 $0xFFFFC000  }
0x4c: {  	p1 =	seq.s32 s30, $0x0;
	_ =	swait.ge [sflag:s22], $0x2400  }
.Ltmp6:
0x4d: {  	s3 =	sshra.s32 s28, $0x2;
	[sflag:s22] =	ssyncset.done $0x0;
	(pc) =	sbr.rel @p1 .LBB2_9-.Ltmp6, $4  }
.Ltmp7:
0x4e: {  	s5 =	sadd.s32 $0x100, s3;
	[sflag:s22] =	ssyncadd.s32 $0xFFFFDC00;
	(pc) =	sbr.rel @!p1 .LBB2_7-.Ltmp7, $4  }
0x4f: {  	[tilespmem:s17], [sflag:$0x3] =	stream.indirect.gather [spmem:s1], $0x40, s5, s12, $0xb8;
	[tilespmem:$0x18F00] =	vst v63  }
0x50: {  	s3 =	sadd.s32 $0x180, s3  }
0x51: {  	[tilespmem:s23], [sflag:$0x4] =	stream.indirect.gather [spmem:s1], $0x40, s3, s12, $0xb8;
	[tilespmem:$0x18F00] =	vst v63  }
0x52: {  	_ = 	snop  }
.LBB2_3:
0x53: {  	s0 =	smov.u32 @p1 s26;
	s31 =	smov.u32 @p1 s25  }
.LBB2_7:
0x54: {  	_ =	swait.ge [sflag:s15], $0x2000  }
0x55: {  	[sflag:s15] =	ssyncset.done $0x0  }
0x56: {  	[sflag:s15] =	ssyncadd.s32 $0xFFFFE000  }
0x57: {  	p1 =	seq.s32 s28, $0x1FC00;
	_ =	swait.ge [sflag:s16], $0x2000  }
.Ltmp8:
0x58: {  	[sflag:s16] =	ssyncset.done $0x0;
	(pc) =	sbr.rel @p1 .LBB2_10-.Ltmp8, $4  }
0x59: {  	[sflag:s16] =	ssyncadd.s32 $0xFFFFE000  }
0x5a: {  	[hbm4b:s31+s2] =	stream.linear.scatter [tilespmem:s17], [sflag:$0x7], $0x4000, $0x38;
	[tilespmem:$0x18F00] =	vst v63  }
0x5b: {  	_ = 	snop  }
0x5c: {  	[hbm4b:s0+s2] =	stream.linear.scatter [tilespmem:s18], [sflag:$0x8], $0x2400, $0x38;
	[tilespmem:$0x18F00] =	vst v63  }
0x5d: {  	_ =	swait.ge [sflag:s19], $0x4000  }
0x5e: {  	[sflag:s19] =	ssyncset.done $0x0  }
0x5f: {  	[sflag:s19] =	ssyncadd.s32 $0xFFFFC000  }
0x60: {  	_ =	swait.ge [sflag:s20], $0x2400  }
.Ltmp9:
0x61: {  	s0 =	sshra.s32 s28, $0x2;
	[sflag:s20] =	ssyncset.done $0x0;
	(pc) =	sbr.rel .LBB2_9-.Ltmp9, $4  }
0x62: {  	s3 =	sadd.s32 $0x100, s0;
	[sflag:s20] =	ssyncadd.s32 $0xFFFFDC00  }
0x63: {  	[tilespmem:s13], [sflag:$0x1] =	stream.indirect.gather [spmem:s1], $0x40, s3, s12, $0xb8;
	[tilespmem:$0x18F00] =	vst v63  }
0x64: {  	s0 =	sadd.s32 $0x180, s0  }
0x65: {  	[tilespmem:s14], [sflag:$0x2] =	stream.indirect.gather [spmem:s1], $0x40, s0, s12, $0xb8;
	[tilespmem:$0x18F00] =	vst v63  }
.LBB2_11:
0x66: {  	_ =	sfence.sel $0x180000  }
0x67: {  	[bflag:$0x0] =	sbarrier.arrive $0xFFFF  }
0x68: {  	_ =	strace $0x90000047  }
0x69: {  	[bflag:$0x2] =	sbarrier.arrive $0xFFFF  }
0x6a: {  	s0 =	rddreg [dreg:$0x3]  }
0x6b: {  	s0 =	sadd.s32 @!p0 $0x100000, s0  }
0x6c: {  	[sflag:s0] =	ssyncadd.tile.s32 @!p0 $0x1;
	_ =	shalt  }
.Lfunc_end2:
_tile_overlayer_lowered:
.L_overlay_start_2:
0x6d: {  	(tag) =	ssettag $0x2  }
0x6e: {  	s0 =	rddreg [dreg:$0x0];
	s2 =	stileid.u32  }
0x6f: {  	s1 =	rddreg [dreg:$0x1];
	p0 =	sne.s32 s2, $0x0  }
0x70: {  	s3 =	rddreg [dreg:$0x2];
	[bflag:$0x3] =	sbarrier.arrive $0xFFFF;
	s2 =	simm.s32 @!p0 $0x1C09  }
0x71: {  	[timem:s3], [sflag:s2] =	dma.local @!p0 [hbm:s0], s1  }
0x72: {  	s0 =	simm.s32 @!p0 $0x9  }
0x73: {  	_ =	swait.ge @!p0 [sflag:s0], s1  }
0x74: {  	s1 =	ssub.s32 @!p0 $0x0, s1;
	[sflag:s0] =	ssyncset.done @!p0 $0x0  }
0x75: {  	[sflag:s0] =	ssyncadd.s32 @!p0 s1  }
0x76: {  	[bflag:$0x3] =	sbarrier.arrive $0xFFFF  }
0x77: {  	_ =	shalt  }

</sc_bundles>
